<compile_context>
chip_gen: v7x
topology: tpu7x:2x2x1
jax: 0.10.2.dev20260603
libtpu: 0.0.44.dev20260713+nightly
codegen_flags: <defaults>
</compile_context>

<pallas_src>
import functools

import jax
import jax.numpy as jnp
from jax import lax
from jax.experimental import pallas as pl
from jax.experimental.pallas import tpu as pltpu
from jax.experimental.pallas import tpu_sc as plsc

NUM_CORES = 2
NUM_SUBCORES = 16
LANES = 16
NW = NUM_CORES * NUM_SUBCORES

B = 4096
D = 64
BPW = B // NW
GROUPS = BPW // LANES


def _svd_body(uids_hbm, iids_hbm, uemb_hbm, iemb_hbm, ubias_hbm, ibias_hbm,
              out_hbm, uid_v, iid_v, uid2_v, iid2_v, urows_v, irows_v,
              ub_v, ib_v, score_v, sem):
    wid = lax.axis_index("s") * NUM_CORES + lax.axis_index("c")
    base = wid * BPW

    pltpu.sync_copy(uids_hbm.at[pl.ds(base, BPW)], uid_v)
    pltpu.sync_copy(iids_hbm.at[pl.ds(base, BPW)], iid_v)

    def half_ids(k, _):
        uid2_v[pl.ds(k * LANES, LANES)] = uid_v[pl.ds(k * LANES, LANES)] >> 1
        iid2_v[pl.ds(k * LANES, LANES)] = iid_v[pl.ds(k * LANES, LANES)] >> 1
        return 0

    lax.fori_loop(0, GROUPS, half_ids, 0)

    cps = [
        pltpu.async_copy(uemb_hbm.at[uid2_v], urows_v, sem),
        pltpu.async_copy(iemb_hbm.at[iid2_v], irows_v, sem),
        pltpu.async_copy(ubias_hbm.at[0].at[uid_v], ub_v, sem),
        pltpu.async_copy(ibias_hbm.at[0].at[iid_v], ib_v, sem),
    ]
    for cp in cps:
        cp.wait()

    lane = jnp.arange(LANES, dtype=jnp.int32)
    rows = [g * LANES + lane for g in range(GROUPS)]
    ucol0 = [(uid_v[pl.ds(g * LANES, LANES)] & 1) * D for g in range(GROUPS)]
    icol0 = [(iid_v[pl.ds(g * LANES, LANES)] & 1) * D for g in range(GROUPS)]
    accs0 = tuple(ub_v[pl.ds(g * LANES, LANES)] + ib_v[pl.ds(g * LANES, LANES)]
                  for g in range(GROUPS))

    def dstep(d, accs):
        col = jnp.full((LANES,), d, dtype=jnp.int32)
        return tuple(
            accs[g]
            + plsc.load_gather(urows_v, [rows[g], ucol0[g] + col])
            * plsc.load_gather(irows_v, [rows[g], icol0[g] + col])
            for g in range(GROUPS)
        )

    accs = lax.fori_loop(0, D, dstep, accs0)
    for g in range(GROUPS):
        score_v[pl.ds(g * LANES, LANES)] = accs[g]

    pltpu.sync_copy(score_v, out_hbm.at[pl.ds(base, BPW)])


@jax.jit
def _svd_score(user_ids, item_ids, user_emb, item_emb, ubias_t, ibias_t):
    mesh = plsc.VectorSubcoreMesh(core_axis_name="c", subcore_axis_name="s")
    run = functools.partial(
        pl.kernel,
        out_type=jax.ShapeDtypeStruct((B,), jnp.float32),
        mesh=mesh,
        compiler_params=pltpu.CompilerParams(
            needs_layout_passes=False, use_tc_tiling_on_sc=True),
        scratch_types=[
            pltpu.VMEM((BPW,), jnp.int32),
            pltpu.VMEM((BPW,), jnp.int32),
            pltpu.VMEM((BPW,), jnp.int32),
            pltpu.VMEM((BPW,), jnp.int32),
            pltpu.VMEM((BPW, 2 * D), jnp.float32),
            pltpu.VMEM((BPW, 2 * D), jnp.float32),
            pltpu.VMEM((BPW,), jnp.float32),
            pltpu.VMEM((BPW,), jnp.float32),
            pltpu.VMEM((BPW,), jnp.float32),
            pltpu.SemaphoreType.DMA,
        ],
    )(_svd_body)
    return run(user_ids, item_ids, user_emb, item_emb, ubias_t, ibias_t)


def kernel(user_ids, item_ids, user_emb, item_emb, user_bias, item_bias,
           average_score):
    del average_score
    ue2 = lax.optimization_barrier(user_emb.reshape(-1, 2 * D))
    ie2 = lax.optimization_barrier(item_emb.reshape(-1, 2 * D))
    score = _svd_score(user_ids, item_ids, ue2, ie2,
                       user_bias.T, item_bias.T)
    return score.reshape(B, 1)

# --- scband reference (transcript-rebuilt; emitter-appended) ---
"""Pipeline reference for scband-svdmodel-39737037423268 (READ-ONLY COPY).

The authoritative reference and input builder live on the scoring server;
editing this copy changes nothing except your own understanding.
"""

import jax, jax.numpy as jnp
import numpy as np

NUM_USERS = 100000
NUM_ITEMS = 100000
LATENT_DIM = 64
BATCH = 4096

def setup_inputs(seed: int = 0) -> dict:
    key = jax.random.key(seed)
    k1, k2, k3, k4, k5, k6, k7 = jax.random.split(key, 7)
    user_ids = jax.random.randint(k1, (BATCH,), 0, NUM_USERS, dtype=jnp.int64 if jax.config.jax_enable_x64 else jnp.int32)
    item_ids = jax.random.randint(k2, (BATCH,), 0, NUM_ITEMS, dtype=jnp.int64 if jax.config.jax_enable_x64 else jnp.int32)
    # random_uniform initializer default range [-0.05, 0.05]
    user_emb = jax.random.uniform(k3, (NUM_USERS, LATENT_DIM), dtype=jnp.float32, minval=-0.05, maxval=0.05)
    item_emb = jax.random.uniform(k4, (NUM_ITEMS, LATENT_DIM), dtype=jnp.float32, minval=-0.05, maxval=0.05)
    user_bias = jax.random.normal(k5, (NUM_USERS, 1), dtype=jnp.float32) * 0.01
    item_bias = jax.random.normal(k6, (NUM_ITEMS, 1), dtype=jnp.float32) * 0.01
    average_score = jax.random.normal(k7, (1,), dtype=jnp.float32) * 0.01
    return {
        'user_ids': user_ids,
        'item_ids': item_ids,
        'user_emb': user_emb,
        'item_emb': item_emb,
        'user_bias': user_bias,
        'item_bias': item_bias,
        'average_score': average_score,
    }

def reference(user_ids, item_ids, user_emb, item_emb, user_bias, item_bias, average_score):
    # safe_embedding_lookup_sparse with one id per row == plain gather (mean over 1 id)
    u_e = jnp.take(user_emb, user_ids, axis=0)            # [B, D]
    i_e = jnp.take(item_emb, item_ids, axis=0)            # [B, D]
    score_no_bias = jnp.sum(u_e * i_e, axis=1, keepdims=True)  # [B, 1]
    u_b = jnp.take(user_bias, user_ids, axis=0)           # [B, 1]
    i_b = jnp.take(item_bias, item_ids, axis=0)           # [B, 1]
    # Note: original call() computes bias_add with average_score but RETURNS
    # score_no_bias + user_bias + item_bias (without average_score). Faithful:
    _ = score_no_bias + u_b + i_b + average_score  # computed-but-unused, matches TF graph
    return score_no_bias + u_b + i_b

if __name__ == "__main__":
    import jax
    _d = setup_inputs()
    print(jax.jit(kernel)(*tuple(_d.values())))

</pallas_src>

<mosaic_0001>
#map = affine_map<(d0, d1) -> (0)>
#map1 = affine_map<(d0, d1) -> (0, 0)>
module attributes {stable_mosaic.version = 14 : i64} {
  func.func @_svd_body(%arg0: i32, %arg1: i32, %arg2: memref<4096xi32, #tpu.memory_space<hbm>>, %arg3: memref<4096xi32, #tpu.memory_space<hbm>>, %arg4: memref<50000x128xf32, #tpu.memory_space<hbm>>, %arg5: memref<50000x128xf32, #tpu.memory_space<hbm>>, %arg6: memref<1x100000xf32, #tpu.memory_space<hbm>>, %arg7: memref<1x100000xf32, #tpu.memory_space<hbm>>, %arg8: memref<4096xf32, #tpu.memory_space<hbm>>, %arg9: memref<128xi32, #tpu.memory_space<vmem>>, %arg10: memref<128xi32, #tpu.memory_space<vmem>>, %arg11: memref<128xi32, #tpu.memory_space<vmem>>, %arg12: memref<128xi32, #tpu.memory_space<vmem>>, %arg13: memref<128x128xf32, #tpu.memory_space<vmem>>, %arg14: memref<128x128xf32, #tpu.memory_space<vmem>>, %arg15: memref<128xf32, #tpu.memory_space<vmem>>, %arg16: memref<128xf32, #tpu.memory_space<vmem>>, %arg17: memref<128xf32, #tpu.memory_space<vmem>>, %arg18: memref<!tpu.dma_semaphore, #tpu.memory_space<semaphore_mem>>) attributes {dimension_semantics = [#tpu.dimension_semantics<core_parallel>, #tpu.dimension_semantics<subcore_parallel>], iteration_bounds = array<i64: 2, 16>, scalar_prefetch = 0 : i64, scratch_operands = 10 : i64, tpu.core_type = #tpu.core_type<sc_vector_subcore>, window_params = [{transform_indices = #map}, {transform_indices = #map}, {transform_indices = #map1}, {transform_indices = #map1}, {transform_indices = #map1}, {transform_indices = #map1}, {transform_indices = #map}]} {
    %mul3A = arith.constant 2 : i32
    %mul3A_0 = arith.muli %arg1, %mul3A : i32
    %add3A = arith.addi %mul3A_0, %arg0 : i32
    %mul3A_1 = arith.constant 128 : i32
    %mul3A_2 = arith.muli %add3A, %mul3A_1 : i32
    "tpu.region"() ({
      %run_scoped3A = tpu.sem_alloc : memref<!tpu.dma_semaphore, #tpu.memory_space<semaphore_mem>>
      %dma_start3A_254 = tpu.memref_slice %arg2[%mul3A_2] : memref<4096xi32, #tpu.memory_space<hbm>> -> memref<128xi32, #tpu.memory_space<hbm>>
      %dma_start3A_255 = tpu.memref_slice %arg2[%mul3A_2] : memref<4096xi32, #tpu.memory_space<hbm>> -> memref<128xi32, #tpu.memory_space<hbm>>
      tpu.enqueue_dma source(%dma_start3A_255 : memref<128xi32, #tpu.memory_space<hbm>>) target(%arg9 : memref<128xi32, #tpu.memory_space<vmem>>) target_semaphore(%run_scoped3A : memref<!tpu.dma_semaphore, #tpu.memory_space<semaphore_mem>>)
      %dma_wait3A_256 = tpu.memref_slice %arg2[%mul3A_2] : memref<4096xi32, #tpu.memory_space<hbm>> -> memref<128xi32, #tpu.memory_space<hbm>>
      %dma_wait3A_257 = tpu.memref_slice %arg2[%mul3A_2] : memref<4096xi32, #tpu.memory_space<hbm>> -> memref<128xi32, #tpu.memory_space<hbm>>
      tpu.wait_dma2 semaphore(%run_scoped3A : memref<!tpu.dma_semaphore, #tpu.memory_space<semaphore_mem>>) src(%dma_wait3A_257 : memref<128xi32, #tpu.memory_space<hbm>>) dst(%arg9 : memref<128xi32, #tpu.memory_space<vmem>>)
      tpu.yield
    }) : () -> ()
    "tpu.region"() ({
      %run_scoped3A = tpu.sem_alloc : memref<!tpu.dma_semaphore, #tpu.memory_space<semaphore_mem>>
      %dma_start3A_254 = tpu.memref_slice %arg3[%mul3A_2] : memref<4096xi32, #tpu.memory_space<hbm>> -> memref<128xi32, #tpu.memory_space<hbm>>
      %dma_start3A_255 = tpu.memref_slice %arg3[%mul3A_2] : memref<4096xi32, #tpu.memory_space<hbm>> -> memref<128xi32, #tpu.memory_space<hbm>>
      tpu.enqueue_dma source(%dma_start3A_255 : memref<128xi32, #tpu.memory_space<hbm>>) target(%arg10 : memref<128xi32, #tpu.memory_space<vmem>>) target_semaphore(%run_scoped3A : memref<!tpu.dma_semaphore, #tpu.memory_space<semaphore_mem>>)
      %dma_wait3A_256 = tpu.memref_slice %arg3[%mul3A_2] : memref<4096xi32, #tpu.memory_space<hbm>> -> memref<128xi32, #tpu.memory_space<hbm>>
      %dma_wait3A_257 = tpu.memref_slice %arg3[%mul3A_2] : memref<4096xi32, #tpu.memory_space<hbm>> -> memref<128xi32, #tpu.memory_space<hbm>>
      tpu.wait_dma2 semaphore(%run_scoped3A : memref<!tpu.dma_semaphore, #tpu.memory_space<semaphore_mem>>) src(%dma_wait3A_257 : memref<128xi32, #tpu.memory_space<hbm>>) dst(%arg10 : memref<128xi32, #tpu.memory_space<vmem>>)
      tpu.yield
    }) : () -> ()
    %scan3A = arith.constant 0 : i32
    %scan3A_3 = arith.constant 0 : i32
    %scan3A_4 = arith.constant 8 : i32
    %scan3A_5 = arith.addi %scan3A_3, %scan3A_4 : i32
    %scan3A_6 = arith.constant 1 : i32
    %scan3A_7 = scf.for %scan3A_254 = %scan3A_3 to %scan3A_5 step %scan3A_6 iter_args(%scan3A_255 = %scan3A) -> (i32)  : i32 {
      %mul3A_256 = arith.constant 16 : i32
      %mul3A_257 = arith.muli %scan3A_254, %mul3A_256 : i32
      %get3A_258 = arith.index_cast %mul3A_257 : i32 to index
      %get3A_259 = tpu.vector_load %arg9[%get3A_258] {strides = array<i32>} : memref<128xi32, #tpu.memory_space<vmem>>, vector<16xi32>,
      %shift_right_arithmetic3A = arith.constant 1 : i32
      %shift_right_arithmetic3A_260 = vector.broadcast %shift_right_arithmetic3A : i32 to vector<16xi32>
      %shift_right_arithmetic3A_261 = arith.shrsi %get3A_259, %shift_right_arithmetic3A_260 : vector<16xi32>
      %mul3A_262 = arith.constant 16 : i32
      %mul3A_263 = arith.muli %scan3A_254, %mul3A_262 : i32
      %swap3A_264 = arith.index_cast %mul3A_263 : i32 to index
      %swap3A_265 = tpu.vector_load %arg11[%swap3A_264] {strides = array<i32>} : memref<128xi32, #tpu.memory_space<vmem>>, vector<16xi32>,
      tpu.vector_store %arg11[%swap3A_264], %shift_right_arithmetic3A_261 {strides = array<i32>} : memref<128xi32, #tpu.memory_space<vmem>>, vector<16xi32>,
      %mul3A_266 = arith.constant 16 : i32
      %mul3A_267 = arith.muli %scan3A_254, %mul3A_266 : i32
      %get3A_268 = arith.index_cast %mul3A_267 : i32 to index
      %get3A_269 = tpu.vector_load %arg10[%get3A_268] {strides = array<i32>} : memref<128xi32, #tpu.memory_space<vmem>>, vector<16xi32>,
      %shift_right_arithmetic3A_270 = arith.constant 1 : i32
      %shift_right_arithmetic3A_271 = vector.broadcast %shift_right_arithmetic3A_270 : i32 to vector<16xi32>
      %shift_right_arithmetic3A_272 = arith.shrsi %get3A_269, %shift_right_arithmetic3A_271 : vector<16xi32>
      %mul3A_273 = arith.constant 16 : i32
      %mul3A_274 = arith.muli %scan3A_254, %mul3A_273 : i32
      %swap3A_275 = arith.index_cast %mul3A_274 : i32 to index
      %swap3A_276 = tpu.vector_load %arg12[%swap3A_275] {strides = array<i32>} : memref<128xi32, #tpu.memory_space<vmem>>, vector<16xi32>,
      tpu.vector_store %arg12[%swap3A_275], %shift_right_arithmetic3A_272 {strides = array<i32>} : memref<128xi32, #tpu.memory_space<vmem>>, vector<16xi32>,
      %scan3A_277 = arith.constant 0 : i32
      scf.yield %scan3A_277 : i32
    }
    %scan3A_8 = arith.constant 8 : i32
    %dma_start3A = arith.constant 0 : i32
    %dma_start3A_9 = arith.constant 0 : i32
    %dma_start3A_10 = tpu.memref_slice %arg4[%dma_start3A, %dma_start3A_9] : memref<50000x128xf32, #tpu.memory_space<hbm>> -> memref<50000x128xf32, #tpu.memory_space<hbm>>
    tpu.enqueue_indirect_dma source(%dma_start3A_10 : memref<50000x128xf32, #tpu.memory_space<hbm>>) target(%arg13 : memref<128x128xf32, #tpu.memory_space<vmem>>) offsets(%arg11 : memref<128xi32, #tpu.memory_space<vmem>>) semaphore(%arg18 : memref<!tpu.dma_semaphore, #tpu.memory_space<semaphore_mem>>)
    %dma_start3A_11 = arith.constant 0 : i32
    %dma_start3A_12 = arith.constant 0 : i32
    %dma_start3A_13 = tpu.memref_slice %arg5[%dma_start3A_11, %dma_start3A_12] : memref<50000x128xf32, #tpu.memory_space<hbm>> -> memref<50000x128xf32, #tpu.memory_space<hbm>>
    tpu.enqueue_indirect_dma source(%dma_start3A_13 : memref<50000x128xf32, #tpu.memory_space<hbm>>) target(%arg14 : memref<128x128xf32, #tpu.memory_space<vmem>>) offsets(%arg12 : memref<128xi32, #tpu.memory_space<vmem>>) semaphore(%arg18 : memref<!tpu.dma_semaphore, #tpu.memory_space<semaphore_mem>>)
    %dma_start3A_14 = arith.constant 0 : i32
    %dma_start3A_15 = arith.constant 0 : i32
    %dma_start3A_16 = tpu.memref_slice %arg6[%dma_start3A_14, %dma_start3A_15] : memref<1x100000xf32, #tpu.memory_space<hbm>> -> memref<1x100000xf32, #tpu.memory_space<hbm>>
    %dma_start3A_17 = tpu.memref_squeeze %dma_start3A_16 : memref<1x100000xf32, #tpu.memory_space<hbm>> -> memref<100000xf32, #tpu.memory_space<hbm>>
    %dma_start3A_18 = arith.constant 0 : i32
    %dma_start3A_19 = tpu.memref_slice %dma_start3A_17[%dma_start3A_18] : memref<100000xf32, #tpu.memory_space<hbm>> -> memref<100000xf32, #tpu.memory_space<hbm>>
    tpu.enqueue_indirect_dma source(%dma_start3A_19 : memref<100000xf32, #tpu.memory_space<hbm>>) target(%arg15 : memref<128xf32, #tpu.memory_space<vmem>>) offsets(%arg9 : memref<128xi32, #tpu.memory_space<vmem>>) semaphore(%arg18 : memref<!tpu.dma_semaphore, #tpu.memory_space<semaphore_mem>>)
    %dma_start3A_20 = arith.constant 0 : i32
    %dma_start3A_21 = arith.constant 0 : i32
    %dma_start3A_22 = tpu.memref_slice %arg7[%dma_start3A_20, %dma_start3A_21] : memref<1x100000xf32, #tpu.memory_space<hbm>> -> memref<1x100000xf32, #tpu.memory_space<hbm>>
    %dma_start3A_23 = tpu.memref_squeeze %dma_start3A_22 : memref<1x100000xf32, #tpu.memory_space<hbm>> -> memref<100000xf32, #tpu.memory_space<hbm>>
    %dma_start3A_24 = arith.constant 0 : i32
    %dma_start3A_25 = tpu.memref_slice %dma_start3A_23[%dma_start3A_24] : memref<100000xf32, #tpu.memory_space<hbm>> -> memref<100000xf32, #tpu.memory_space<hbm>>
    tpu.enqueue_indirect_dma source(%dma_start3A_25 : memref<100000xf32, #tpu.memory_space<hbm>>) target(%arg16 : memref<128xf32, #tpu.memory_space<vmem>>) offsets(%arg10 : memref<128xi32, #tpu.memory_space<vmem>>) semaphore(%arg18 : memref<!tpu.dma_semaphore, #tpu.memory_space<semaphore_mem>>)
    %dma_wait3A = arith.constant 0 : i32
    %dma_wait3A_26 = arith.constant 0 : i32
    %dma_wait3A_27 = tpu.memref_slice %arg4[%dma_wait3A, %dma_wait3A_26] : memref<50000x128xf32, #tpu.memory_space<hbm>> -> memref<50000x128xf32, #tpu.memory_space<hbm>>
    tpu.wait_indirect_dma semaphore(%arg18 : memref<!tpu.dma_semaphore, #tpu.memory_space<semaphore_mem>>) src(%dma_wait3A_27 : memref<50000x128xf32, #tpu.memory_space<hbm>>) dst(%arg13 : memref<128x128xf32, #tpu.memory_space<vmem>>)
    %dma_wait3A_28 = arith.constant 0 : i32
    %dma_wait3A_29 = arith.constant 0 : i32
    %dma_wait3A_30 = tpu.memref_slice %arg5[%dma_wait3A_28, %dma_wait3A_29] : memref<50000x128xf32, #tpu.memory_space<hbm>> -> memref<50000x128xf32, #tpu.memory_space<hbm>>
    tpu.wait_indirect_dma semaphore(%arg18 : memref<!tpu.dma_semaphore, #tpu.memory_space<semaphore_mem>>) src(%dma_wait3A_30 : memref<50000x128xf32, #tpu.memory_space<hbm>>) dst(%arg14 : memref<128x128xf32, #tpu.memory_space<vmem>>)
    %dma_wait3A_31 = arith.constant 0 : i32
    %dma_wait3A_32 = arith.constant 0 : i32
    %dma_wait3A_33 = tpu.memref_slice %arg6[%dma_wait3A_31, %dma_wait3A_32] : memref<1x100000xf32, #tpu.memory_space<hbm>> -> memref<1x100000xf32, #tpu.memory_space<hbm>>
    %dma_wait3A_34 = tpu.memref_squeeze %dma_wait3A_33 : memref<1x100000xf32, #tpu.memory_space<hbm>> -> memref<100000xf32, #tpu.memory_space<hbm>>
    %dma_wait3A_35 = arith.constant 0 : i32
    %dma_wait3A_36 = tpu.memref_slice %dma_wait3A_34[%dma_wait3A_35] : memref<100000xf32, #tpu.memory_space<hbm>> -> memref<100000xf32, #tpu.memory_space<hbm>>
    tpu.wait_indirect_dma semaphore(%arg18 : memref<!tpu.dma_semaphore, #tpu.memory_space<semaphore_mem>>) src(%dma_wait3A_36 : memref<100000xf32, #tpu.memory_space<hbm>>) dst(%arg15 : memref<128xf32, #tpu.memory_space<vmem>>)
    %dma_wait3A_37 = arith.constant 0 : i32
    %dma_wait3A_38 = arith.constant 0 : i32
    %dma_wait3A_39 = tpu.memref_slice %arg7[%dma_wait3A_37, %dma_wait3A_38] : memref<1x100000xf32, #tpu.memory_space<hbm>> -> memref<1x100000xf32, #tpu.memory_space<hbm>>
    %dma_wait3A_40 = tpu.memref_squeeze %dma_wait3A_39 : memref<1x100000xf32, #tpu.memory_space<hbm>> -> memref<100000xf32, #tpu.memory_space<hbm>>
    %dma_wait3A_41 = arith.constant 0 : i32
    %dma_wait3A_42 = tpu.memref_slice %dma_wait3A_40[%dma_wait3A_41] : memref<100000xf32, #tpu.memory_space<hbm>> -> memref<100000xf32, #tpu.memory_space<hbm>>
    tpu.wait_indirect_dma semaphore(%arg18 : memref<!tpu.dma_semaphore, #tpu.memory_space<semaphore_mem>>) src(%dma_wait3A_42 : memref<100000xf32, #tpu.memory_space<hbm>>) dst(%arg16 : memref<128xf32, #tpu.memory_space<vmem>>)
    %iota3A = tpu.iota {dimensions = array<i32: 0>} : vector<16xi32>
    %add3A_43 = arith.constant 0 : i32
    %add3A_44 = vector.broadcast %add3A_43 : i32 to vector<16xi32>
    %add3A_45 = arith.addi %add3A_44, %iota3A : vector<16xi32>
    %add3A_46 = arith.constant 16 : i32
    %add3A_47 = vector.broadcast %add3A_46 : i32 to vector<16xi32>
    %add3A_48 = arith.addi %add3A_47, %iota3A : vector<16xi32>
    %add3A_49 = arith.constant 32 : i32
    %add3A_50 = vector.broadcast %add3A_49 : i32 to vector<16xi32>
    %add3A_51 = arith.addi %add3A_50, %iota3A : vector<16xi32>
    %add3A_52 = arith.constant 48 : i32
    %add3A_53 = vector.broadcast %add3A_52 : i32 to vector<16xi32>
    %add3A_54 = arith.addi %add3A_53, %iota3A : vector<16xi32>
    %add3A_55 = arith.constant 64 : i32
    %add3A_56 = vector.broadcast %add3A_55 : i32 to vector<16xi32>
    %add3A_57 = arith.addi %add3A_56, %iota3A : vector<16xi32>
    %add3A_58 = arith.constant 80 : i32
    %add3A_59 = vector.broadcast %add3A_58 : i32 to vector<16xi32>
    %add3A_60 = arith.addi %add3A_59, %iota3A : vector<16xi32>
    %add3A_61 = arith.constant 96 : i32
    %add3A_62 = vector.broadcast %add3A_61 : i32 to vector<16xi32>
    %add3A_63 = arith.addi %add3A_62, %iota3A : vector<16xi32>
    %add3A_64 = arith.constant 112 : i32
    %add3A_65 = vector.broadcast %add3A_64 : i32 to vector<16xi32>
    %add3A_66 = arith.addi %add3A_65, %iota3A : vector<16xi32>
    %get3A = arith.constant 0 : index
    %get3A_67 = tpu.vector_load %arg9[%get3A] {strides = array<i32>} : memref<128xi32, #tpu.memory_space<vmem>>, vector<16xi32>,
    %and3A = arith.constant 1 : i32
    %and3A_68 = vector.broadcast %and3A : i32 to vector<16xi32>
    %and3A_69 = arith.andi %get3A_67, %and3A_68 : vector<16xi32>
    %mul3A_70 = arith.constant 64 : i32
    %mul3A_71 = vector.broadcast %mul3A_70 : i32 to vector<16xi32>
    %mul3A_72 = arith.muli %and3A_69, %mul3A_71 : vector<16xi32>
    %get3A_73 = arith.constant 16 : index
    %get3A_74 = tpu.vector_load %arg9[%get3A_73] {strides = array<i32>} : memref<128xi32, #tpu.memory_space<vmem>>, vector<16xi32>,
    %and3A_75 = arith.constant 1 : i32
    %and3A_76 = vector.broadcast %and3A_75 : i32 to vector<16xi32>
    %and3A_77 = arith.andi %get3A_74, %and3A_76 : vector<16xi32>
    %mul3A_78 = arith.constant 64 : i32
    %mul3A_79 = vector.broadcast %mul3A_78 : i32 to vector<16xi32>
    %mul3A_80 = arith.muli %and3A_77, %mul3A_79 : vector<16xi32>
    %get3A_81 = arith.constant 32 : index
    %get3A_82 = tpu.vector_load %arg9[%get3A_81] {strides = array<i32>} : memref<128xi32, #tpu.memory_space<vmem>>, vector<16xi32>,
    %and3A_83 = arith.constant 1 : i32
    %and3A_84 = vector.broadcast %and3A_83 : i32 to vector<16xi32>
    %and3A_85 = arith.andi %get3A_82, %and3A_84 : vector<16xi32>
    %mul3A_86 = arith.constant 64 : i32
    %mul3A_87 = vector.broadcast %mul3A_86 : i32 to vector<16xi32>
    %mul3A_88 = arith.muli %and3A_85, %mul3A_87 : vector<16xi32>
    %get3A_89 = arith.constant 48 : index
    %get3A_90 = tpu.vector_load %arg9[%get3A_89] {strides = array<i32>} : memref<128xi32, #tpu.memory_space<vmem>>, vector<16xi32>,
    %and3A_91 = arith.constant 1 : i32
    %and3A_92 = vector.broadcast %and3A_91 : i32 to vector<16xi32>
    %and3A_93 = arith.andi %get3A_90, %and3A_92 : vector<16xi32>
    %mul3A_94 = arith.constant 64 : i32
    %mul3A_95 = vector.broadcast %mul3A_94 : i32 to vector<16xi32>
    %mul3A_96 = arith.muli %and3A_93, %mul3A_95 : vector<16xi32>
    %get3A_97 = arith.constant 64 : index
    %get3A_98 = tpu.vector_load %arg9[%get3A_97] {strides = array<i32>} : memref<128xi32, #tpu.memory_space<vmem>>, vector<16xi32>,
    %and3A_99 = arith.constant 1 : i32
    %and3A_100 = vector.broadcast %and3A_99 : i32 to vector<16xi32>
    %and3A_101 = arith.andi %get3A_98, %and3A_100 : vector<16xi32>
    %mul3A_102 = arith.constant 64 : i32
    %mul3A_103 = vector.broadcast %mul3A_102 : i32 to vector<16xi32>
    %mul3A_104 = arith.muli %and3A_101, %mul3A_103 : vector<16xi32>
    %get3A_105 = arith.constant 80 : index
    %get3A_106 = tpu.vector_load %arg9[%get3A_105] {strides = array<i32>} : memref<128xi32, #tpu.memory_space<vmem>>, vector<16xi32>,
    %and3A_107 = arith.constant 1 : i32
    %and3A_108 = vector.broadcast %and3A_107 : i32 to vector<16xi32>
    %and3A_109 = arith.andi %get3A_106, %and3A_108 : vector<16xi32>
    %mul3A_110 = arith.constant 64 : i32
    %mul3A_111 = vector.broadcast %mul3A_110 : i32 to vector<16xi32>
    %mul3A_112 = arith.muli %and3A_109, %mul3A_111 : vector<16xi32>
    %get3A_113 = arith.constant 96 : index
    %get3A_114 = tpu.vector_load %arg9[%get3A_113] {strides = array<i32>} : memref<128xi32, #tpu.memory_space<vmem>>, vector<16xi32>,
    %and3A_115 = arith.constant 1 : i32
    %and3A_116 = vector.broadcast %and3A_115 : i32 to vector<16xi32>
    %and3A_117 = arith.andi %get3A_114, %and3A_116 : vector<16xi32>
    %mul3A_118 = arith.constant 64 : i32
    %mul3A_119 = vector.broadcast %mul3A_118 : i32 to vector<16xi32>
    %mul3A_120 = arith.muli %and3A_117, %mul3A_119 : vector<16xi32>
    %get3A_121 = arith.constant 112 : index
    %get3A_122 = tpu.vector_load %arg9[%get3A_121] {strides = array<i32>} : memref<128xi32, #tpu.memory_space<vmem>>, vector<16xi32>,
    %and3A_123 = arith.constant 1 : i32
    %and3A_124 = vector.broadcast %and3A_123 : i32 to vector<16xi32>
    %and3A_125 = arith.andi %get3A_122, %and3A_124 : vector<16xi32>
    %mul3A_126 = arith.constant 64 : i32
    %mul3A_127 = vector.broadcast %mul3A_126 : i32 to vector<16xi32>
    %mul3A_128 = arith.muli %and3A_125, %mul3A_127 : vector<16xi32>
    %get3A_129 = arith.constant 0 : index
    %get3A_130 = tpu.vector_load %arg10[%get3A_129] {strides = array<i32>} : memref<128xi32, #tpu.memory_space<vmem>>, vector<16xi32>,
    %and3A_131 = arith.constant 1 : i32
    %and3A_132 = vector.broadcast %and3A_131 : i32 to vector<16xi32>
    %and3A_133 = arith.andi %get3A_130, %and3A_132 : vector<16xi32>
    %mul3A_134 = arith.constant 64 : i32
    %mul3A_135 = vector.broadcast %mul3A_134 : i32 to vector<16xi32>
    %mul3A_136 = arith.muli %and3A_133, %mul3A_135 : vector<16xi32>
    %get3A_137 = arith.constant 16 : index
    %get3A_138 = tpu.vector_load %arg10[%get3A_137] {strides = array<i32>} : memref<128xi32, #tpu.memory_space<vmem>>, vector<16xi32>,
    %and3A_139 = arith.constant 1 : i32
    %and3A_140 = vector.broadcast %and3A_139 : i32 to vector<16xi32>
    %and3A_141 = arith.andi %get3A_138, %and3A_140 : vector<16xi32>
    %mul3A_142 = arith.constant 64 : i32
    %mul3A_143 = vector.broadcast %mul3A_142 : i32 to vector<16xi32>
    %mul3A_144 = arith.muli %and3A_141, %mul3A_143 : vector<16xi32>
    %get3A_145 = arith.constant 32 : index
    %get3A_146 = tpu.vector_load %arg10[%get3A_145] {strides = array<i32>} : memref<128xi32, #tpu.memory_space<vmem>>, vector<16xi32>,
    %and3A_147 = arith.constant 1 : i32
    %and3A_148 = vector.broadcast %and3A_147 : i32 to vector<16xi32>
    %and3A_149 = arith.andi %get3A_146, %and3A_148 : vector<16xi32>
    %mul3A_150 = arith.constant 64 : i32
    %mul3A_151 = vector.broadcast %mul3A_150 : i32 to vector<16xi32>
    %mul3A_152 = arith.muli %and3A_149, %mul3A_151 : vector<16xi32>
    %get3A_153 = arith.constant 48 : index
    %get3A_154 = tpu.vector_load %arg10[%get3A_153] {strides = array<i32>} : memref<128xi32, #tpu.memory_space<vmem>>, vector<16xi32>,
    %and3A_155 = arith.constant 1 : i32
    %and3A_156 = vector.broadcast %and3A_155 : i32 to vector<16xi32>
    %and3A_157 = arith.andi %get3A_154, %and3A_156 : vector<16xi32>
    %mul3A_158 = arith.constant 64 : i32
    %mul3A_159 = vector.broadcast %mul3A_158 : i32 to vector<16xi32>
    %mul3A_160 = arith.muli %and3A_157, %mul3A_159 : vector<16xi32>
    %get3A_161 = arith.constant 64 : index
    %get3A_162 = tpu.vector_load %arg10[%get3A_161] {strides = array<i32>} : memref<128xi32, #tpu.memory_space<vmem>>, vector<16xi32>,
    %and3A_163 = arith.constant 1 : i32
    %and3A_164 = vector.broadcast %and3A_163 : i32 to vector<16xi32>
    %and3A_165 = arith.andi %get3A_162, %and3A_164 : vector<16xi32>
    %mul3A_166 = arith.constant 64 : i32
    %mul3A_167 = vector.broadcast %mul3A_166 : i32 to vector<16xi32>
    %mul3A_168 = arith.muli %and3A_165, %mul3A_167 : vector<16xi32>
    %get3A_169 = arith.constant 80 : index
    %get3A_170 = tpu.vector_load %arg10[%get3A_169] {strides = array<i32>} : memref<128xi32, #tpu.memory_space<vmem>>, vector<16xi32>,
    %and3A_171 = arith.constant 1 : i32
    %and3A_172 = vector.broadcast %and3A_171 : i32 to vector<16xi32>
    %and3A_173 = arith.andi %get3A_170, %and3A_172 : vector<16xi32>
    %mul3A_174 = arith.constant 64 : i32
    %mul3A_175 = vector.broadcast %mul3A_174 : i32 to vector<16xi32>
    %mul3A_176 = arith.muli %and3A_173, %mul3A_175 : vector<16xi32>
    %get3A_177 = arith.constant 96 : index
    %get3A_178 = tpu.vector_load %arg10[%get3A_177] {strides = array<i32>} : memref<128xi32, #tpu.memory_space<vmem>>, vector<16xi32>,
    %and3A_179 = arith.constant 1 : i32
    %and3A_180 = vector.broadcast %and3A_179 : i32 to vector<16xi32>
    %and3A_181 = arith.andi %get3A_178, %and3A_180 : vector<16xi32>
    %mul3A_182 = arith.constant 64 : i32
    %mul3A_183 = vector.broadcast %mul3A_182 : i32 to vector<16xi32>
    %mul3A_184 = arith.muli %and3A_181, %mul3A_183 : vector<16xi32>
    %get3A_185 = arith.constant 112 : index
    %get3A_186 = tpu.vector_load %arg10[%get3A_185] {strides = array<i32>} : memref<128xi32, #tpu.memory_space<vmem>>, vector<16xi32>,
    %and3A_187 = arith.constant 1 : i32
    %and3A_188 = vector.broadcast %and3A_187 : i32 to vector<16xi32>
    %and3A_189 = arith.andi %get3A_186, %and3A_188 : vector<16xi32>
    %mul3A_190 = arith.constant 64 : i32
    %mul3A_191 = vector.broadcast %mul3A_190 : i32 to vector<16xi32>
    %mul3A_192 = arith.muli %and3A_189, %mul3A_191 : vector<16xi32>
    %get3A_193 = arith.constant 0 : index
    %get3A_194 = tpu.vector_load %arg15[%get3A_193] {strides = array<i32>} : memref<128xf32, #tpu.memory_space<vmem>>, vector<16xf32>,
    %get3A_195 = arith.constant 0 : index
    %get3A_196 = tpu.vector_load %arg16[%get3A_195] {strides = array<i32>} : memref<128xf32, #tpu.memory_space<vmem>>, vector<16xf32>,
    %add3A_197 = arith.addf %get3A_194, %get3A_196 : vector<16xf32>
    %get3A_198 = arith.constant 16 : index
    %get3A_199 = tpu.vector_load %arg15[%get3A_198] {strides = array<i32>} : memref<128xf32, #tpu.memory_space<vmem>>, vector<16xf32>,
    %get3A_200 = arith.constant 16 : index
    %get3A_201 = tpu.vector_load %arg16[%get3A_200] {strides = array<i32>} : memref<128xf32, #tpu.memory_space<vmem>>, vector<16xf32>,
    %add3A_202 = arith.addf %get3A_199, %get3A_201 : vector<16xf32>
    %get3A_203 = arith.constant 32 : index
    %get3A_204 = tpu.vector_load %arg15[%get3A_203] {strides = array<i32>} : memref<128xf32, #tpu.memory_space<vmem>>, vector<16xf32>,
    %get3A_205 = arith.constant 32 : index
    %get3A_206 = tpu.vector_load %arg16[%get3A_205] {strides = array<i32>} : memref<128xf32, #tpu.memory_space<vmem>>, vector<16xf32>,
    %add3A_207 = arith.addf %get3A_204, %get3A_206 : vector<16xf32>
    %get3A_208 = arith.constant 48 : index
    %get3A_209 = tpu.vector_load %arg15[%get3A_208] {strides = array<i32>} : memref<128xf32, #tpu.memory_space<vmem>>, vector<16xf32>,
    %get3A_210 = arith.constant 48 : index
    %get3A_211 = tpu.vector_load %arg16[%get3A_210] {strides = array<i32>} : memref<128xf32, #tpu.memory_space<vmem>>, vector<16xf32>,
    %add3A_212 = arith.addf %get3A_209, %get3A_211 : vector<16xf32>
    %get3A_213 = arith.constant 64 : index
    %get3A_214 = tpu.vector_load %arg15[%get3A_213] {strides = array<i32>} : memref<128xf32, #tpu.memory_space<vmem>>, vector<16xf32>,
    %get3A_215 = arith.constant 64 : index
    %get3A_216 = tpu.vector_load %arg16[%get3A_215] {strides = array<i32>} : memref<128xf32, #tpu.memory_space<vmem>>, vector<16xf32>,
    %add3A_217 = arith.addf %get3A_214, %get3A_216 : vector<16xf32>
    %get3A_218 = arith.constant 80 : index
    %get3A_219 = tpu.vector_load %arg15[%get3A_218] {strides = array<i32>} : memref<128xf32, #tpu.memory_space<vmem>>, vector<16xf32>,
    %get3A_220 = arith.constant 80 : index
    %get3A_221 = tpu.vector_load %arg16[%get3A_220] {strides = array<i32>} : memref<128xf32, #tpu.memory_space<vmem>>, vector<16xf32>,
    %add3A_222 = arith.addf %get3A_219, %get3A_221 : vector<16xf32>
    %get3A_223 = arith.constant 96 : index
    %get3A_224 = tpu.vector_load %arg15[%get3A_223] {strides = array<i32>} : memref<128xf32, #tpu.memory_space<vmem>>, vector<16xf32>,
    %get3A_225 = arith.constant 96 : index
    %get3A_226 = tpu.vector_load %arg16[%get3A_225] {strides = array<i32>} : memref<128xf32, #tpu.memory_space<vmem>>, vector<16xf32>,
    %add3A_227 = arith.addf %get3A_224, %get3A_226 : vector<16xf32>
    %get3A_228 = arith.constant 112 : index
    %get3A_229 = tpu.vector_load %arg15[%get3A_228] {strides = array<i32>} : memref<128xf32, #tpu.memory_space<vmem>>, vector<16xf32>,
    %get3A_230 = arith.constant 112 : index
    %get3A_231 = tpu.vector_load %arg16[%get3A_230] {strides = array<i32>} : memref<128xf32, #tpu.memory_space<vmem>>, vector<16xf32>,
    %add3A_232 = arith.addf %get3A_229, %get3A_231 : vector<16xf32>
    %scan3A_233 = arith.constant 0 : i32
    %scan3A_234 = arith.constant 64 : i32
    %scan3A_235 = arith.addi %scan3A_233, %scan3A_234 : i32
    %scan3A_236 = arith.constant 1 : i32
    %scan3A_237:8 = scf.for %scan3A_254 = %scan3A_233 to %scan3A_235 step %scan3A_236 iter_args(%scan3A_255 = %add3A_197, %scan3A_256 = %add3A_202, %scan3A_257 = %add3A_207, %scan3A_258 = %add3A_212, %scan3A_259 = %add3A_217, %scan3A_260 = %add3A_222, %scan3A_261 = %add3A_227, %scan3A_262 = %add3A_232) -> (vector<16xf32>, vector<16xf32>, vector<16xf32>, vector<16xf32>, vector<16xf32>, vector<16xf32>, vector<16xf32>, vector<16xf32>)  : i32 {
      %broadcast_in_dim3A = vector.broadcast %scan3A_254 : i32 to vector<16xi32>
      %add3A_263 = arith.addi %mul3A_72, %broadcast_in_dim3A : vector<16xi32>
      %gather3A = tpu.vector_load_idx %arg13[%add3A_45, %add3A_263] : memref<128x128xf32, #tpu.memory_space<vmem>>[vector<16xi32>, vector<16xi32>], vector<16xf32>,
      %add3A_264 = arith.addi %mul3A_136, %broadcast_in_dim3A : vector<16xi32>
      %gather3A_265 = tpu.vector_load_idx %arg14[%add3A_45, %add3A_264] : memref<128x128xf32, #tpu.memory_space<vmem>>[vector<16xi32>, vector<16xi32>], vector<16xf32>,
      %mul3A_266 = arith.mulf %gather3A, %gather3A_265 : vector<16xf32>
      %add3A_267 = arith.addf %scan3A_255, %mul3A_266 : vector<16xf32>
      %add3A_268 = arith.addi %mul3A_80, %broadcast_in_dim3A : vector<16xi32>
      %gather3A_269 = tpu.vector_load_idx %arg13[%add3A_48, %add3A_268] : memref<128x128xf32, #tpu.memory_space<vmem>>[vector<16xi32>, vector<16xi32>], vector<16xf32>,
      %add3A_270 = arith.addi %mul3A_144, %broadcast_in_dim3A : vector<16xi32>
      %gather3A_271 = tpu.vector_load_idx %arg14[%add3A_48, %add3A_270] : memref<128x128xf32, #tpu.memory_space<vmem>>[vector<16xi32>, vector<16xi32>], vector<16xf32>,
      %mul3A_272 = arith.mulf %gather3A_269, %gather3A_271 : vector<16xf32>
      %add3A_273 = arith.addf %scan3A_256, %mul3A_272 : vector<16xf32>
      %add3A_274 = arith.addi %mul3A_88, %broadcast_in_dim3A : vector<16xi32>
      %gather3A_275 = tpu.vector_load_idx %arg13[%add3A_51, %add3A_274] : memref<128x128xf32, #tpu.memory_space<vmem>>[vector<16xi32>, vector<16xi32>], vector<16xf32>,
      %add3A_276 = arith.addi %mul3A_152, %broadcast_in_dim3A : vector<16xi32>
      %gather3A_277 = tpu.vector_load_idx %arg14[%add3A_51, %add3A_276] : memref<128x128xf32, #tpu.memory_space<vmem>>[vector<16xi32>, vector<16xi32>], vector<16xf32>,
      %mul3A_278 = arith.mulf %gather3A_275, %gather3A_277 : vector<16xf32>
      %add3A_279 = arith.addf %scan3A_257, %mul3A_278 : vector<16xf32>
      %add3A_280 = arith.addi %mul3A_96, %broadcast_in_dim3A : vector<16xi32>
      %gather3A_281 = tpu.vector_load_idx %arg13[%add3A_54, %add3A_280] : memref<128x128xf32, #tpu.memory_space<vmem>>[vector<16xi32>, vector<16xi32>], vector<16xf32>,
      %add3A_282 = arith.addi %mul3A_160, %broadcast_in_dim3A : vector<16xi32>
      %gather3A_283 = tpu.vector_load_idx %arg14[%add3A_54, %add3A_282] : memref<128x128xf32, #tpu.memory_space<vmem>>[vector<16xi32>, vector<16xi32>], vector<16xf32>,
      %mul3A_284 = arith.mulf %gather3A_281, %gather3A_283 : vector<16xf32>
      %add3A_285 = arith.addf %scan3A_258, %mul3A_284 : vector<16xf32>
      %add3A_286 = arith.addi %mul3A_104, %broadcast_in_dim3A : vector<16xi32>
      %gather3A_287 = tpu.vector_load_idx %arg13[%add3A_57, %add3A_286] : memref<128x128xf32, #tpu.memory_space<vmem>>[vector<16xi32>, vector<16xi32>], vector<16xf32>,
      %add3A_288 = arith.addi %mul3A_168, %broadcast_in_dim3A : vector<16xi32>
      %gather3A_289 = tpu.vector_load_idx %arg14[%add3A_57, %add3A_288] : memref<128x128xf32, #tpu.memory_space<vmem>>[vector<16xi32>, vector<16xi32>], vector<16xf32>,
      %mul3A_290 = arith.mulf %gather3A_287, %gather3A_289 : vector<16xf32>
      %add3A_291 = arith.addf %scan3A_259, %mul3A_290 : vector<16xf32>
      %add3A_292 = arith.addi %mul3A_112, %broadcast_in_dim3A : vector<16xi32>
      %gather3A_293 = tpu.vector_load_idx %arg13[%add3A_60, %add3A_292] : memref<128x128xf32, #tpu.memory_space<vmem>>[vector<16xi32>, vector<16xi32>], vector<16xf32>,
      %add3A_294 = arith.addi %mul3A_176, %broadcast_in_dim3A : vector<16xi32>
      %gather3A_295 = tpu.vector_load_idx %arg14[%add3A_60, %add3A_294] : memref<128x128xf32, #tpu.memory_space<vmem>>[vector<16xi32>, vector<16xi32>], vector<16xf32>,
      %mul3A_296 = arith.mulf %gather3A_293, %gather3A_295 : vector<16xf32>
      %add3A_297 = arith.addf %scan3A_260, %mul3A_296 : vector<16xf32>
      %add3A_298 = arith.addi %mul3A_120, %broadcast_in_dim3A : vector<16xi32>
      %gather3A_299 = tpu.vector_load_idx %arg13[%add3A_63, %add3A_298] : memref<128x128xf32, #tpu.memory_space<vmem>>[vector<16xi32>, vector<16xi32>], vector<16xf32>,
      %add3A_300 = arith.addi %mul3A_184, %broadcast_in_dim3A : vector<16xi32>
      %gather3A_301 = tpu.vector_load_idx %arg14[%add3A_63, %add3A_300] : memref<128x128xf32, #tpu.memory_space<vmem>>[vector<16xi32>, vector<16xi32>], vector<16xf32>,
      %mul3A_302 = arith.mulf %gather3A_299, %gather3A_301 : vector<16xf32>
      %add3A_303 = arith.addf %scan3A_261, %mul3A_302 : vector<16xf32>
      %add3A_304 = arith.addi %mul3A_128, %broadcast_in_dim3A : vector<16xi32>
      %gather3A_305 = tpu.vector_load_idx %arg13[%add3A_66, %add3A_304] : memref<128x128xf32, #tpu.memory_space<vmem>>[vector<16xi32>, vector<16xi32>], vector<16xf32>,
      %add3A_306 = arith.addi %mul3A_192, %broadcast_in_dim3A : vector<16xi32>
      %gather3A_307 = tpu.vector_load_idx %arg14[%add3A_66, %add3A_306] : memref<128x128xf32, #tpu.memory_space<vmem>>[vector<16xi32>, vector<16xi32>], vector<16xf32>,
      %mul3A_308 = arith.mulf %gather3A_305, %gather3A_307 : vector<16xf32>
      %add3A_309 = arith.addf %scan3A_262, %mul3A_308 : vector<16xf32>
      scf.yield %add3A_267, %add3A_273, %add3A_279, %add3A_285, %add3A_291, %add3A_297, %add3A_303, %add3A_309 : vector<16xf32>, vector<16xf32>, vector<16xf32>, vector<16xf32>, vector<16xf32>, vector<16xf32>, vector<16xf32>, vector<16xf32>
    }
    %scan3A_238 = arith.constant 64 : i32
    %swap3A = arith.constant 0 : index
    %swap3A_239 = tpu.vector_load %arg17[%swap3A] {strides = array<i32>} : memref<128xf32, #tpu.memory_space<vmem>>, vector<16xf32>,
    tpu.vector_store %arg17[%swap3A], %scan3A_237#0 {strides = array<i32>} : memref<128xf32, #tpu.memory_space<vmem>>, vector<16xf32>,
    %swap3A_240 = arith.constant 16 : index
    %swap3A_241 = tpu.vector_load %arg17[%swap3A_240] {strides = array<i32>} : memref<128xf32, #tpu.memory_space<vmem>>, vector<16xf32>,
    tpu.vector_store %arg17[%swap3A_240], %scan3A_237#1 {strides = array<i32>} : memref<128xf32, #tpu.memory_space<vmem>>, vector<16xf32>,
    %swap3A_242 = arith.constant 32 : index
    %swap3A_243 = tpu.vector_load %arg17[%swap3A_242] {strides = array<i32>} : memref<128xf32, #tpu.memory_space<vmem>>, vector<16xf32>,
    tpu.vector_store %arg17[%swap3A_242], %scan3A_237#2 {strides = array<i32>} : memref<128xf32, #tpu.memory_space<vmem>>, vector<16xf32>,
    %swap3A_244 = arith.constant 48 : index
    %swap3A_245 = tpu.vector_load %arg17[%swap3A_244] {strides = array<i32>} : memref<128xf32, #tpu.memory_space<vmem>>, vector<16xf32>,
    tpu.vector_store %arg17[%swap3A_244], %scan3A_237#3 {strides = array<i32>} : memref<128xf32, #tpu.memory_space<vmem>>, vector<16xf32>,
    %swap3A_246 = arith.constant 64 : index
    %swap3A_247 = tpu.vector_load %arg17[%swap3A_246] {strides = array<i32>} : memref<128xf32, #tpu.memory_space<vmem>>, vector<16xf32>,
    tpu.vector_store %arg17[%swap3A_246], %scan3A_237#4 {strides = array<i32>} : memref<128xf32, #tpu.memory_space<vmem>>, vector<16xf32>,
    %swap3A_248 = arith.constant 80 : index
    %swap3A_249 = tpu.vector_load %arg17[%swap3A_248] {strides = array<i32>} : memref<128xf32, #tpu.memory_space<vmem>>, vector<16xf32>,
    tpu.vector_store %arg17[%swap3A_248], %scan3A_237#5 {strides = array<i32>} : memref<128xf32, #tpu.memory_space<vmem>>, vector<16xf32>,
    %swap3A_250 = arith.constant 96 : index
    %swap3A_251 = tpu.vector_load %arg17[%swap3A_250] {strides = array<i32>} : memref<128xf32, #tpu.memory_space<vmem>>, vector<16xf32>,
    tpu.vector_store %arg17[%swap3A_250], %scan3A_237#6 {strides = array<i32>} : memref<128xf32, #tpu.memory_space<vmem>>, vector<16xf32>,
    %swap3A_252 = arith.constant 112 : index
    %swap3A_253 = tpu.vector_load %arg17[%swap3A_252] {strides = array<i32>} : memref<128xf32, #tpu.memory_space<vmem>>, vector<16xf32>,
    tpu.vector_store %arg17[%swap3A_252], %scan3A_237#7 {strides = array<i32>} : memref<128xf32, #tpu.memory_space<vmem>>, vector<16xf32>,
    "tpu.region"() ({
      %run_scoped3A = tpu.sem_alloc : memref<!tpu.dma_semaphore, #tpu.memory_space<semaphore_mem>>
      %dma_start3A_254 = tpu.memref_slice %arg8[%mul3A_2] : memref<4096xf32, #tpu.memory_space<hbm>> -> memref<128xf32, #tpu.memory_space<hbm>>
      %dma_start3A_255 = tpu.memref_slice %arg8[%mul3A_2] : memref<4096xf32, #tpu.memory_space<hbm>> -> memref<128xf32, #tpu.memory_space<hbm>>
      tpu.enqueue_dma source(%arg17 : memref<128xf32, #tpu.memory_space<vmem>>) target(%dma_start3A_255 : memref<128xf32, #tpu.memory_space<hbm>>) target_semaphore(%run_scoped3A : memref<!tpu.dma_semaphore, #tpu.memory_space<semaphore_mem>>)
      %dma_wait3A_256 = tpu.memref_slice %arg8[%mul3A_2] : memref<4096xf32, #tpu.memory_space<hbm>> -> memref<128xf32, #tpu.memory_space<hbm>>
      %dma_wait3A_257 = tpu.memref_slice %arg8[%mul3A_2] : memref<4096xf32, #tpu.memory_space<hbm>> -> memref<128xf32, #tpu.memory_space<hbm>>
      tpu.wait_dma2 semaphore(%run_scoped3A : memref<!tpu.dma_semaphore, #tpu.memory_space<semaphore_mem>>) src(%arg17 : memref<128xf32, #tpu.memory_space<vmem>>) dst(%dma_wait3A_257 : memref<128xf32, #tpu.memory_space<hbm>>)
      tpu.yield
    }) : () -> ()
    return
  }
}

</mosaic_0001>

<sc_bundles>
// kernel: _svd_score.3.cloned.1.call-start
scs
__scs_entry_jumppad:
0x0: {  	(pc) =	sbr.rel $0x88, $3  }
0x1: {  	(tag) =	ssettag $0x0;
	lr =	simm.s32 $0x1  }
0x2: {  	[smem:$0x3F9B] =	sst lr;
	_ =	strace $0xD0000000  }
0x3: {  	_ = 	snop  }
0x4: {  	_ = 	snop  }
0x5: {  	_ = 	snop  }
0x6: {  	_ = 	snop  }
0x7: {  	_ = 	snop  }
__scs_overlays_trampoline_lowered:
0x8: {  	[smem:$0x3FAA] =	sst s0  }
0x9: {  	[smem:$0x3FAB] =	sst s1  }
0xa: {  	[smem:$0x3FAC] =	sst s2  }
0xb: {  	[smem:$0x3FAD] =	sst s3  }
0xc: {  	[smem:$0x3FAE] =	sst s4  }
0xd: {  	[smem:$0x3FAF] =	sst s5  }
0xe: {  	[smem:$0x3FB0] =	sst s6  }
0xf: {  	[smem:$0x3FB1] =	sst s7  }
0x10: {  	[smem:$0x3FB2] =	sst s8  }
0x11: {  	[smem:$0x3FB3] =	sst s9;
	s0 =	simm.s32 @!p0 $0x0  }
0x12: {  	s1 =	sld [smem:$0x3F99];
	s0 =	simm.s32 @p0 $0x1  }
0x13: {  	[smem:$0x3FB4] =	sst s0;
	s0 =	simm.s32 @!p1 $0x0  }
0x14: {  	s2 =	sld [smem:$0x3F98];
	s0 =	simm.s32 @p1 $0x1  }
0x15: {  	[smem:$0x3FB5] =	sst s0;
	s0 =	simm.s32 @!p2 $0x0  }
0x16: {  	s3 =	sld [smem:$0x3FDB];
	s0 =	simm.s32 @p2 $0x1  }
0x17: {  	s4 =	simm.s32 $0x1BF5;
	[smem:$0x3FB7] =	sst s0  }
0x18: {  	s0 =	sld [smem:$0x3F9A];
	_ =	swait.ge [sflag:s4], $0x0  }
0x19: {  	s7 =	sld [smem:$0x3F9B]  }
0x1a: {  	s8 =	sadd.s32 $0xFFFFE003, lr  }
0x1b: {  	s9 =	sadd.s32 $0xFFFFFEF7, lr;
	s5 =	simm.s32 $0xFFFFFFFF;
	p2 =	slt.u32 s8, $0xFFFFF086  }
0x1c: {  	p1 =	slt.u32 s9, $0xF7A;
	s5 =	simm.s32 @!p2 $0x0  }
0x1d: {  	s5 =	simm.s32 @p1 $0x1;
	p0 =	seq.s32 s7, s2  }
0x1e: {  	s7 =	smul.u32 @!p0 $0xF7A, s2;
	p2 =	seq.s32 @!p0 s5, $0x0  }
0x1f: {  	s9 =	smul.u32 $0xF7A, s1;
	s8 =	simm.s32 @!p0 $0x1BF5;
	p2 =	por !p2, p0  }
0x20: {  	[sflag:s8] =	ssyncset.s32 @!p0 $0xFFFFF086;
	s6 =	sadd.s32 @!p0 s3, s7;
	s7 =	simm.s32 @!p0 $0x108  }
0x21: {  	s3 =	sadd.s32 s3, s9;
	s6 =	sadd.s32 @!p0 $0x88, s6;
	s7 =	simm.s32 @p2 $0x1082  }
0x22: {  	[simem:s7], [sflag:s8] =	dma.local @!p0 [hbm:s6], $0xF7A  }
0x23: {  	s9 =	sor.u32 $0xD0000000, s2;
	s6 =	simm.s32 $0x108;
	_ =	swait.ge @!p0 [sflag:s8], $0x0  }
0x24: {  	s3 =	sadd.s32 $0x88, s3;
	s6 =	simm.s32 @!p1 $0x1082;
	[sflag:s4] =	ssyncset.s32 $0xFFFFF086  }
0x25: {  	[simem:s6], [sflag:s4] =	dma.local [hbm:s3], $0xF7A  }
0x26: {  	[smem:$0x3F9B] =	sst s1;
	(tag) =	ssettag s2;
	_ =	strace s9  }
0x27: {  	s1 =	sld [smem:$0x3FAB]  }
0x28: {  	s2 =	sld [smem:$0x3FAC]  }
0x29: {  	s4 =	sld [smem:$0x3FAE]  }
0x2a: {  	p0 =	seq.s32 s5, $0x0;
	s5 =	sld [smem:$0x3FAF]  }
0x2b: {  	s6 =	sld [smem:$0x3FB0]  }
0x2c: {  	s7 =	sld [smem:$0x3FB1]  }
0x2d: {  	s3 =	simm.s32 $0x108;
	s8 =	sld [smem:$0x3FB2]  }
0x2e: {  	s3 =	simm.s32 @!p0 $0x1082;
	s9 =	sld [smem:$0x3FB3]  }
0x2f: {  	lr =	sadd.s32 s0, s3;
	s0 =	sld [smem:$0x3FAA]  }
0x30: {  	s3 =	sld [smem:$0x3FAD]  }
0x31: {  	[smem:$0x3FB6] =	sst s10  }
0x32: {  	s10 =	sld [smem:$0x3FB4];
	_ =	sdelay $0x3  }
0x33: {  	p0 =	seq.s32 s10, $0x1;
	s10 =	sld [smem:$0x3FB6];
	_ =	sdelay $0x3  }
0x34: {  	[smem:$0x3FB6] =	sst s10  }
0x35: {  	s10 =	sld [smem:$0x3FB5];
	_ =	sdelay $0x3  }
0x36: {  	p1 =	seq.s32 s10, $0x1;
	s10 =	sld [smem:$0x3FB6];
	_ =	sdelay $0x3  }
0x37: {  	[smem:$0x3FB6] =	sst s10  }
0x38: {  	s10 =	sld [smem:$0x3FB7]  }
0x39: {  	_ = 	snop;
	(pc) =	sbr.ind lr, $3  }
0x3a: {  	_ = 	snop  }
0x3b: {  	_ = 	snop  }
0x3c: {  	p2 =	seq.s32 s10, $0x1;
	s10 =	sld [smem:$0x3FB6]  }
0x3d: {  	_ =	shalt  }
0x3e: {  	_ =	shalt  }
0x3f: {  	_ =	shalt  }
0x40: {  	_ =	shalt  }
0x41: {  	_ =	shalt  }
0x42: {  	_ =	shalt  }
0x43: {  	_ =	shalt  }
0x44: {  	_ =	shalt  }
0x45: {  	_ =	shalt  }
0x46: {  	_ =	shalt  }
0x47: {  	_ =	shalt  }
0x48: {  	_ =	shalt  }
0x49: {  	_ =	shalt  }
0x4a: {  	_ =	shalt  }
0x4b: {  	_ =	shalt  }
0x4c: {  	_ =	shalt  }
0x4d: {  	_ =	shalt  }
0x4e: {  	_ =	shalt  }
0x4f: {  	_ =	shalt  }
0x50: {  	_ =	shalt  }
0x51: {  	_ =	shalt  }
0x52: {  	_ =	shalt  }
0x53: {  	_ =	shalt  }
0x54: {  	_ =	shalt  }
0x55: {  	_ =	shalt  }
0x56: {  	_ =	shalt  }
0x57: {  	_ =	shalt  }
0x58: {  	_ =	shalt  }
0x59: {  	_ =	shalt  }
0x5a: {  	_ =	shalt  }
0x5b: {  	_ =	shalt  }
0x5c: {  	_ =	shalt  }
0x5d: {  	_ =	shalt  }
0x5e: {  	_ =	shalt  }
0x5f: {  	_ =	shalt  }
0x60: {  	_ =	shalt  }
0x61: {  	_ =	shalt  }
0x62: {  	_ =	shalt  }
0x63: {  	_ =	shalt  }
0x64: {  	_ =	shalt  }
0x65: {  	_ =	shalt  }
0x66: {  	_ =	shalt  }
0x67: {  	_ =	shalt  }
0x68: {  	_ =	shalt  }
0x69: {  	_ =	shalt  }
0x6a: {  	_ =	shalt  }
0x6b: {  	_ =	shalt  }
0x6c: {  	_ =	shalt  }
0x6d: {  	_ =	shalt  }
0x6e: {  	_ =	shalt  }
0x6f: {  	_ =	shalt  }
0x70: {  	_ =	shalt  }
0x71: {  	_ =	shalt  }
0x72: {  	_ =	shalt  }
0x73: {  	_ =	shalt  }
0x74: {  	_ =	shalt  }
0x75: {  	_ =	shalt  }
0x76: {  	_ =	shalt  }
0x77: {  	_ =	shalt  }
0x78: {  	_ =	shalt  }
0x79: {  	_ =	shalt  }
0x7a: {  	_ =	shalt  }
0x7b: {  	_ =	shalt  }
0x7c: {  	_ =	shalt  }
0x7d: {  	_ =	shalt  }
0x7e: {  	_ =	shalt  }
0x7f: {  	_ =	shalt  }
0x80: {  	_ =	shalt  }
0x81: {  	_ =	shalt  }
0x82: {  	_ =	shalt  }
0x83: {  	_ =	shalt  }
0x84: {  	_ =	shalt  }
0x85: {  	_ =	shalt  }
0x86: {  	_ =	shalt  }
0x87: {  	_ =	shalt  }
.Lfunc_end0:
.L_simem_size_0:
called_computation_lowered:
.L_overlay_start_0:
0x88: {  	s2 =	sld [smem:$0x3FD9]  }
0x89: {  	s3 =	sld [smem:$0x3FFE];
	_ =	sdelay $0x1  }
0x8a: {  	s1 =	srdreg.scid  }
0x8b: {  	s0 =	sand.u32 $0x1, s1  }
0x8c: {  	s18 =	sshll.u32 s0, $0xA;
	s2 =	sadd.s32 s3, s2  }
0x8d: {  	s2 =	sadd.s32 s2, s18  }
0x8e: {  	[smem:$0x3FC2] =	sst s2  }
0x8f: {  	_ = 	snop  }
0x90: {  	s2 =	sld [smem:$0x3FC9]  }
0x91: {  	s19 =	sld [smem:$0x3FC8]  }
0x92: {  	s4 =	sld [smem:$0x3FC7]  }
0x93: {  	s5 =	sld [smem:$0x3FC6]  }
0x94: {  	s6 =	sld [smem:$0x3FC5]  }
0x95: {  	s7 =	sld [smem:$0x3FC4]  }
0x96: {  	s8 =	sld [smem:$0x3FD0];
	(tm) =	ssettm $0x1  }
0x97: {  	s9 =	sld [smem:$0x3FFB];
	_ =	sdelay $0x3  }
0x98: {  	_ =	strace s9  }
0x99: {  	s9 =	sld [smem:$0x3FFC];
	_ =	sdelay $0x3  }
0x9a: {  	_ =	strace s9  }
0x9b: {  	s9 =	sld [smem:$0x3FFD];
	_ =	sdelay $0x3  }
0x9c: {  	_ =	strace s9  }
0x9d: {  	_ =	strace $0x8FFFFFFF  }
0x9e: {  	s20 =	sld [smem:$0x3FDB];
	_ =	sdelay $0x1  }
0x9f: {  	s10 =	simm.s32 $_scs_section_size  }
0xa0: {  	s11 =	simm.s32 $_size__tile_overlayer_lowered;
	s12 =	simm.s32 $_tile_overlayer_lowered  }
0xa1: {  	s23 =	simm.s32 $0x1BFF;
	s22 =	sshll.u32 s12, $0x1;
	s9 =	sadd.s32 s10, s20  }
0xa2: {  	s13 =	simm.s32 $0x0;
	s21 =	sshll.u32 s11, $0x1;
	s11 =	sadd.s32 s22, s9  }
0xa3: {  	[timem:s13], [sflag:s23] =	dma.local [hbm:s11], s21  }
0xa4: {  	_ =	swait.ge [sflag:s23], s21  }
0xa5: {  	s10 =	ssub.s32 $0x0, s21;
	[sflag:s23] =	ssyncset.done $0x0  }
0xa6: {  	[sflag:s23] =	ssyncadd.s32 s10;
	_ =	sdelay $0x1  }
0xa7: {  	s24 =	simm.s32 $0x1B8B  }
0xa8: {  	_ =	swait.ge [sflag:s24], $0x1  }
0xa9: {  	[sflag:s24] =	ssyncset.done $0x0  }
0xaa: {  	s25 =	simm.s32 $0x1B8E;
	[sflag:s24] =	ssyncadd.s32 $0xFFFFFFFF  }
0xab: {  	s26 =	simm.s32 $execute0_lowered;
	[smem:$0x3FD2] =	sst s25  }
0xac: {  	s10 =	sshll.u32 s26, $0x1;
	_ =	strace $0x80000046;
	[dreg:$0x1] =	wrdreg $0xFFFFFFFF  }
0xad: {  	s28 =	simm.s32 $_size_execute0_lowered;
	s9 =	sadd.s32 s9, s10;
	[dreg:$0x0] =	wrdreg $0x0  }
0xae: {  	s10 =	sshll.u32 s28, $0x1;
	[dreg:$0x2] =	wrdreg s9  }
0xaf: {  	[dreg:$0x3] =	wrdreg s10  }
0xb0: {  	[dreg:$0x4] =	wrdreg $0xC0  }
0xb1: {  	_ =	task [dreg:s13], $0x5FFFF  }
0xb2: {  	[dreg:$0x1] =	wrdreg $0xFFFFFFFF  }
0xb3: {  	[dreg:$0x0] =	wrdreg $0x60  }
0xb4: {  	[dreg:$0x2] =	wrdreg s2  }
0xb5: {  	[dreg:$0x3] =	wrdreg s19  }
0xb6: {  	[dreg:$0x4] =	wrdreg s4  }
0xb7: {  	[dreg:$0x5] =	wrdreg s5  }
0xb8: {  	[dreg:$0x6] =	wrdreg s6  }
0xb9: {  	[dreg:$0x7] =	wrdreg s7  }
0xba: {  	[dreg:$0x8] =	wrdreg s8  }
0xbb: {  	[dreg:$0x9] =	wrdreg $0x9  }
0xbc: {  	_ =	task.clear_ibuf [dreg:s13], $0xAFFFF;
	_ =	strace $0x90000046  }
0xbd: {  	s29 =	simm.s32 $0x9;
	_ =	strace $0x80000048  }
0xbe: {  	_ =	swait.ge [sflag:s29], $0x1  }
0xbf: {  	[sflag:s29] =	ssyncadd.s32 $0xFFFFFFFF  }
0xc0: {  	_ =	strace $0x90000048  }
0xc1: {  	_ =	sfence  }
0xc2: {  	s30 =	sld [smem:$0x0];
	_ =	sdelay $0x2  }
0xc3: {  	s31 =	sshll.u32 s1, $0xD;
	s1 =	sshrl.u32 s1, $0x2  }
0xc4: {  	s3 =	sand.u32 $0x4000, s31;
	s1 =	sadd.s32 s1, s30  }
0xc5: {  	s0 =	sor.u32 s3, s0;
	s1 =	sshll.u32 s1, $0x11  }
0xc6: {  	s0 =	sor.u32 s1, s0  }
0xc7: {  	s0 =	sadd.s32 $0x8F2B, s0  }
0xc8: {  	[sflag:s0] =	ssyncadd.remote.s32 $0x1  }
0xc9: {  	_ =	sfence.sel $0xFFFF  }
0xca: {  	[dreg:$0x0] =	wrdreg $0xFFFFFFFF;
	(pc) =	sbr.abs _section_cstart, $3  }
0xcb: {  	[dreg:$0x1] =	wrdreg $0xFFFFFFFF  }
0xcc: {  	_ =	task.clear_ibuf [dreg:s13], $0x2FFFF;
	_ =	strace $0x9FFFFFFF  }
0xcd: {  	(tm) =	ssettm $0x7FFFFFFF  }
tec
execute0_lowered:
.L_overlay_start_1:
0x0: {  	(tag) =	ssettag $0x1  }
0x1: {  	s7 =	rddreg [dreg:$0x0]  }
0x2: {  	s8 =	rddreg [dreg:$0x1]  }
0x3: {  	s1 =	rddreg [dreg:$0x2]  }
0x4: {  	s2 =	rddreg [dreg:$0x3]  }
0x5: {  	s3 =	rddreg [dreg:$0x4]  }
0x6: {  	s4 =	rddreg [dreg:$0x5]  }
0x7: {  	s9 =	rddreg [dreg:$0x6];
	s5 =	srdreg.scid  }
0x8: {  	s0 =	rddreg [dreg:$0x7];
	s6 =	simm.s32 $0x0;
	s14 =	simm.s32 $0x200  }
0x9: {  	s15 =	simm.s32 $0x180;
	s16 =	simm.s32 $0x4200;
	s17 =	simm.s32 $0x8200  }
0xa: {  	s18 =	simm.s32 $0x8280;
	s19 =	simm.s32 $0x1;
	s20 =	simm.s32 $0x8300  }
0xb: {  	v0 =	vlaneseq.u32;
	s21 =	simm.s32 $0x0;
	s10 =	sand.u32 $0x1, s5;
	s5 =	stileid.u32  }
0xc: {  	[smem:$0x7FF] =	sst s6;
	v0 =	vmul.u32 $0x80, v0;
	s11 =	ssub.s32 $0x2, s10;
	s13 =	sshll.u32 s5, $0x5  }
0xd: {  	s10 =	sshll.u32 s10, $0x4;
	_ =	strace $0x80000047;
	s12 =	sshrl.u32 s11, $0x1  }
0xe: {  	s10 =	sor.u32 s10, s13;
	s13 =	simm.s32 $0x100;
	v1 =	vor.u32 $0x800, v0;
	s11 =	ssub.s32 s11, s12  }
0xf: {  	v2 =	vor.u32 $0x1000, v0;
	v3 =	vor.u32 $0x1800, v0;
	v4 =	vor.u32 $0x2000, v0;
	s7 =	sadd.s32 s7, s10;
	s8 =	sadd.s32 s8, s10;
	s9 =	sadd.s32 s9, s10  }
0x10: {  	v5 =	vor.u32 $0x2800, v0;
	v6 =	vor.u32 $0x3000, v0;
	v7 =	vor.u32 $0x3800, v0;
	s12 =	simm.s32 $0x80;
	s10 =	smax.u32 s11, $0x1;
	s11 =	simm.s32 $0x2  }
.LBB2_1:
0x11: {  	[tilespmem:s6], [sflag:$0x2] =	stream.linear.gather [hbm4b:s7+s6], $0x80, $0x38;
	[tilespmem:$0x8380] =	vst v63  }
0x12: {  	_ =	swait.ge [sflag:s11], $0x80  }
0x13: {  	[sflag:s11] =	ssyncset.done $0x0  }
0x14: {  	[sflag:s11] =	ssyncadd.s32 $0xFFFFFF80  }
0x15: {  	[tilespmem:s12], [sflag:$0x2] =	stream.linear.gather [hbm4b:s8+s6], $0x80, $0x38;
	[tilespmem:$0x8380] =	vst v63  }
0x16: {  	_ =	swait.ge [sflag:s11], $0x80  }
0x17: {  	[sflag:s11] =	ssyncset.done $0x0  }
0x18: {  	[sflag:s11] =	ssyncadd.s32 $0xFFFFFF80  }
0x19: {  	v8 =	vld [tilespmem:$0x0]  }
0x1a: {  	v9 =	vld [tilespmem:$0x80]  }
0x1b: {  	v10 =	vld [tilespmem:$0x10]  }
0x1c: {  	v11 =	vld [tilespmem:$0x90]  }
0x1d: {  	v12 =	vld [tilespmem:$0x20]  }
0x1e: {  	v13 =	vld [tilespmem:$0xA0];
	v8 =	vshra.s32 v8, $0x1  }
0x1f: {  	[tilespmem:$0x100] =	vst v8;
	v8 =	vshra.s32 v9, $0x1;
	v9 =	vld [tilespmem:$0x30]  }
0x20: {  	[tilespmem:$0x180] =	vst v8;
	v8 =	vshra.s32 v10, $0x1;
	v10 =	vld [tilespmem:$0xB0]  }
0x21: {  	[tilespmem:$0x110] =	vst v8;
	v8 =	vshra.s32 v11, $0x1;
	v11 =	vld [tilespmem:$0x40]  }
0x22: {  	[tilespmem:$0x190] =	vst v8;
	v8 =	vshra.s32 v12, $0x1;
	v12 =	vld [tilespmem:$0xC0]  }
0x23: {  	[tilespmem:$0x120] =	vst v8;
	v8 =	vshra.s32 v13, $0x1;
	v13 =	vld [tilespmem:$0x50]  }
0x24: {  	[tilespmem:$0x1A0] =	vst v8;
	v8 =	vshra.s32 v9, $0x1;
	v9 =	vld [tilespmem:$0xD0]  }
0x25: {  	[tilespmem:$0x130] =	vst v8;
	v8 =	vshra.s32 v10, $0x1;
	v10 =	vld [tilespmem:$0x60]  }
0x26: {  	[tilespmem:$0x1B0] =	vst v8;
	v8 =	vshra.s32 v11, $0x1;
	v11 =	vld [tilespmem:$0xE0]  }
0x27: {  	[tilespmem:$0x140] =	vst v8;
	v8 =	vshra.s32 v12, $0x1;
	v12 =	vld [tilespmem:$0x70]  }
0x28: {  	[tilespmem:$0x1C0] =	vst v8;
	v8 =	vshra.s32 v13, $0x1;
	v13 =	vld [tilespmem:$0xF0]  }
0x29: {  	[tilespmem:$0x150] =	vst v8;
	v8 =	vshra.s32 v9, $0x1  }
0x2a: {  	[tilespmem:$0x1D0] =	vst v8;
	v8 =	vshra.s32 v10, $0x1  }
0x2b: {  	[tilespmem:$0x160] =	vst v8;
	v8 =	vshra.s32 v11, $0x1  }
0x2c: {  	[tilespmem:$0x1E0] =	vst v8;
	v8 =	vshra.s32 v12, $0x1  }
0x2d: {  	[tilespmem:$0x170] =	vst v8;
	v8 =	vshra.s32 v13, $0x1  }
0x2e: {  	[tilespmem:$0x1F0] =	vst v8  }
0x2f: {  	[tilespmem:s14], [sflag:$0x1] =	stream.indirect.gather [hbm4b:s1+s12], $0x80, s13, s12, $0xb8;
	[tilespmem:$0x8380] =	vst v63  }
0x30: {  	_ = 	snop  }
0x31: {  	[tilespmem:s16], [sflag:$0x1] =	stream.indirect.gather [hbm4b:s2+s12], $0x80, s15, s12, $0xb8;
	[tilespmem:$0x8380] =	vst v63  }
0x32: {  	_ = 	snop  }
0x33: {  	[tilespmem:s17], [sflag:$0x1] =	stream.indirect.gather [hbm4b:s3+s12], $0x1, s6, s12, $0xb8;
	[tilespmem:$0x8380] =	vst v63  }
0x34: {  	_ = 	snop  }
0x35: {  	[tilespmem:s18], [sflag:$0x1] =	stream.indirect.gather [hbm4b:s4+s12], $0x1, s12, s12, $0xb8;
	[tilespmem:$0x8380] =	vst v63  }
0x36: {  	_ =	swait.ge [sflag:s19], $0x4000  }
0x37: {  	[sflag:s19] =	ssyncset.done $0x0  }
0x38: {  	[sflag:s19] =	ssyncadd.s32 $0xFFFFC000  }
0x39: {  	_ =	swait.ge [sflag:s19], $0x4000  }
0x3a: {  	[sflag:s19] =	ssyncset.done $0x0  }
0x3b: {  	[sflag:s19] =	ssyncadd.s32 $0xFFFFC000  }
0x3c: {  	_ =	swait.ge [sflag:s19], $0x80  }
0x3d: {  	[sflag:s19] =	ssyncset.done $0x0  }
0x3e: {  	[sflag:s19] =	ssyncadd.s32 $0xFFFFFF80  }
0x3f: {  	_ =	swait.ge [sflag:s19], $0x80  }
0x40: {  	[sflag:s19] =	ssyncset.done $0x0  }
0x41: {  	[sflag:s19] =	ssyncadd.s32 $0xFFFFFF80  }
0x42: {  	v8 =	vld [tilespmem:$0x0]  }
0x43: {  	v9 =	vld [tilespmem:$0x10]  }
0x44: {  	v10 =	vld [tilespmem:$0x20]  }
0x45: {  	v11 =	vld [tilespmem:$0x30]  }
0x46: {  	v12 =	vld [tilespmem:$0x40]  }
0x47: {  	v13 =	vld [tilespmem:$0x50]  }
0x48: {  	v14 =	vld [tilespmem:$0x60]  }
0x49: {  	v15 =	vld [tilespmem:$0x70]  }
0x4a: {  	v16 =	vld [tilespmem:$0x80]  }
0x4b: {  	v17 =	vld [tilespmem:$0x90]  }
0x4c: {  	v18 =	vld [tilespmem:$0xA0]  }
0x4d: {  	v19 =	vld [tilespmem:$0xB0]  }
0x4e: {  	v20 =	vld [tilespmem:$0xC0]  }
0x4f: {  	v21 =	vld [tilespmem:$0xD0]  }
0x50: {  	v22 =	vld [tilespmem:$0xE0]  }
0x51: {  	v23 =	vld [tilespmem:$0xF0]  }
0x52: {  	v24 =	vld [tilespmem:$0x8200]  }
0x53: {  	v25 =	vld [tilespmem:$0x8280]  }
0x54: {  	v26 =	vld [tilespmem:$0x8210]  }
0x55: {  	v27 =	vld [tilespmem:$0x8290]  }
0x56: {  	v28 =	vld [tilespmem:$0x8220];
	v32 =	vshll.u32 v8, $0x6  }
0x57: {  	v29 =	vld [tilespmem:$0x82A0];
	v35 =	vshll.u32 v9, $0x6;
	v31 =	vshll.u32 v10, $0x6;
	v33 =	vshll.u32 v11, $0x6  }
0x58: {  	v34 =	vshll.u32 v12, $0x6;
	v36 =	vshll.u32 v13, $0x6;
	v14 =	vshll.u32 v14, $0x6  }
0x59: {  	v15 =	vshll.u32 v15, $0x6;
	v37 =	vshll.u32 v16, $0x6;
	v39 =	vshll.u32 v17, $0x6  }
0x5a: {  	v40 =	vshll.u32 v18, $0x6;
	v38 =	vshll.u32 v19, $0x6;
	v17 =	vshll.u32 v20, $0x6  }
0x5b: {  	v30 =	vld [tilespmem:$0x8230];
	v20 =	vshll.u32 v21, $0x6;
	v18 =	vshll.u32 v22, $0x6;
	v12 =	vadd.f32 v25, v24  }
0x5c: {  	v41 =	vld [tilespmem:$0x8260];
	v19 =	vshll.u32 v23, $0x6;
	v11 =	vadd.f32 v27, v26;
	v10 =	vadd.f32 v29, v28  }
0x5d: {  	v8 =	vld [tilespmem:$0x82B0];
	v15 =	vand.u32 $0x40, v15;
	v18 =	vand.u32 $0x40, v18;
	v20 =	vand.u32 $0x40, v20  }
0x5e: {  	v13 =	vld [tilespmem:$0x8240];
	v24 =	vand.u32 $0x40, v34;
	v17 =	vand.u32 $0x40, v17;
	v31 =	vand.u32 $0x40, v31  }
0x5f: {  	v16 =	vld [tilespmem:$0x82C0];
	v32 =	vand.u32 $0x40, v32;
	v62 =	vand.u32 $0x40, v40;
	v23 =	vor.u32 v5, v20  }
0x60: {  	v42 =	vld [tilespmem:$0x82E0];
	v24 =	vor.u32 v4, v24;
	v20 =	vand.u32 $0x40, v33;
	v44 =	vor.u32 s6, v23  }
0x61: {  	v58 =	vld [tilespmem:$0x8270];
	v26 =	vor.u32 v4, v17;
	v31 =	vor.u32 v2, v31;
	v45 =	vor.u32 s6, v24  }
0x62: {  	v21 =	vld [tilespmem:$0x8250];
	v27 =	vor.u32 v3, v20;
	v20 =	vand.u32 $0x40, v38;
	v46 =	vor.u32 s6, v26  }
0x63: {  	v22 =	vld [tilespmem:$0x82D0];
	v18 =	vor.u32 v6, v18;
	v60 =	vor.u32 s6, v31;
	v29 =	vor.u32 v3, v20  }
0x64: {  	v43 =	vld [tilespmem:$0x82F0];
	v47 =	vor.u32 s6, v27;
	v9 =	vadd.f32 v8, v30;
	v8 =	vadd.f32 v16, v13  }
0x65: {  	v13 =	vor.u32 v7, v15;
	v15 =	vand.u32 $0x40, v19;
	v48 =	vor.u32 s6, v29;
	v33 =	vld.idx.msk [tilespmem:v44+s16+$0x0], $0xffff  }
0x66: {  	v16 =	vand.u32 $0x40, v14;
	v14 =	vor.u32 v7, v15;
	v15 =	vor.u32 s6, v13;
	v38 =	vld.idx.msk [tilespmem:v45+s14+$0x0], $0xffff  }
0x67: {  	v19 =	vand.u32 $0x40, v36;
	v16 =	vor.u32 v6, v16;
	v25 =	vor.u32 s6, v14;
	v40 =	vld.idx.msk [tilespmem:v46+s16+$0x0], $0xffff  }
0x68: {  	v20 =	vadd.f32 v22, v21;
	v21 =	vadd.f32 v42, v41;
	v28 =	vor.u32 s6, v16;
	v42 =	vld.idx.msk [tilespmem:v60+s14+$0x0], $0xffff  }
0x69: {  	v63 =	vand.u32 $0x40, v39;
	v30 =	vor.u32 s6, v18;
	v19 =	vor.u32 v5, v19;
	v39 =	vld.idx.msk [tilespmem:v47+s14+$0x0], $0xffff  }
0x6a: {  	v35 =	vand.u32 $0x40, v35;
	v36 =	vor.u32 v2, v62;
	v59 =	vor.u32 s6, v19;
	v41 =	vld.idx.msk [tilespmem:v48+s16+$0x0], $0xffff  }
0x6b: {  	v35 =	vor.u32 v1, v35;
	v22 =	vadd.f32 v43, v58;
	v43 =	vor.u32 s6, v36;
	v15 =	vld.idx.msk [tilespmem:v15+s14+$0x0], $0xffff  }
0x6c: {  	v61 =	vand.u32 $0x40, v37;
	v37 =	vor.u32 v1, v63;
	v44 =	vor.u32 s6, v35;
	v17 =	vld.idx.msk [tilespmem:v25+s16+$0x0], $0xffff  }
0x6d: {  	v32 =	vor.u32 v0, v32;
	v45 =	vor.u32 s6, v37;
	v25 =	vld.idx.msk [tilespmem:v28+s14+$0x0], $0xffff  }
0x6e: {  	v34 =	vor.u32 v0, v61;
	v46 =	vor.u32 s6, v32;
	v28 =	vld.idx.msk [tilespmem:v30+s16+$0x0], $0xffff  }
0x6f: {  	s22 =	simm.s32 $0x1;
	v47 =	vor.u32 s6, v34;
	v30 =	vld.idx.msk [tilespmem:v59+s14+$0x0], $0xffff  }
.LBB2_2:
0x70: {  	v48 =	vor.u32 s22, v13;
	p0 =	sne.s32 s22, $0x3F;
	v43 =	vld.idx.msk [tilespmem:v43+s16+$0x0], $0xffff  }
0x71: {  	v49 =	vor.u32 s22, v14;
	v44 =	vld.idx.msk [tilespmem:v44+s14+$0x0], $0xffff  }
0x72: {  	v50 =	vor.u32 s22, v16;
	v45 =	vld.idx.msk [tilespmem:v45+s16+$0x0], $0xffff  }
0x73: {  	v51 =	vor.u32 s22, v18;
	v46 =	vld.idx.msk [tilespmem:v46+s14+$0x0], $0xffff  }
0x74: {  	v52 =	vor.u32 s22, v19;
	v47 =	vld.idx.msk [tilespmem:v47+s16+$0x0], $0xffff  }
0x75: {  	v53 =	vor.u32 s22, v23;
	v28 =	vmul.f32 v28, v25;
	v54 =	vmul.f32 v17, v15;
	v15 =	vld.idx.msk [tilespmem:v48+s14+$0x0], $0xffff  }
0x76: {  	v30 =	vmul.f32 v33, v30;
	v38 =	vmul.f32 v40, v38;
	v48 =	vor.u32 s22, v24;
	v17 =	vld.idx.msk [tilespmem:v49+s16+$0x0], $0xffff  }
0x77: {  	v40 =	vor.u32 s22, v26;
	v21 =	vadd.f32 v28, v21;
	v22 =	vadd.f32 v54, v22;
	v25 =	vld.idx.msk [tilespmem:v50+s14+$0x0], $0xffff  }
0x78: {  	v20 =	vadd.f32 v30, v20;
	v8 =	vadd.f32 v38, v8;
	v49 =	vor.u32 s22, v27;
	v28 =	vld.idx.msk [tilespmem:v51+s16+$0x0], $0xffff  }
0x79: {  	v39 =	vmul.f32 v41, v39;
	v42 =	vmul.f32 v43, v42;
	v50 =	vor.u32 s22, v29;
	v30 =	vld.idx.msk [tilespmem:v52+s14+$0x0], $0xffff  }
0x7a: {  	v45 =	vmul.f32 v45, v44;
	v51 =	vor.u32 s22, v31;
	v41 =	vmul.f32 v47, v46;
	v33 =	vld.idx.msk [tilespmem:v53+s16+$0x0], $0xffff  }
.Ltmp0:
0x7b: {  	v43 =	vor.u32 s22, v36;
	v9 =	vadd.f32 v39, v9;
	v10 =	vadd.f32 v42, v10;
	v38 =	vld.idx.msk [tilespmem:v48+s14+$0x0], $0xffff;
	(pc) =	sbr.rel @p0 .LBB2_2-.Ltmp0, $4  }
0x7c: {  	v44 =	vor.u32 s22, v35;
	v11 =	vadd.f32 v45, v11;
	v12 =	vadd.f32 v41, v12;
	v40 =	vld.idx.msk [tilespmem:v40+s16+$0x0], $0xffff  }
0x7d: {  	v45 =	vor.u32 s22, v37;
	v39 =	vld.idx.msk [tilespmem:v49+s14+$0x0], $0xffff  }
0x7e: {  	v46 =	vor.u32 s22, v32;
	v41 =	vld.idx.msk [tilespmem:v50+s16+$0x0], $0xffff  }
0x7f: {  	v47 =	vor.u32 s22, v34;
	s22 =	sadd.s32 $0x1, s22;
	v42 =	vld.idx.msk [tilespmem:v51+s14+$0x0], $0xffff  }
0x80: {  	_ =	sdelay $0x3  }
0x81: {  	v13 =	vld.idx.msk [tilespmem:v44+s14+$0x0], $0xffff  }
0x82: {  	v14 =	vld.idx.msk [tilespmem:v46+s14+$0x0], $0xffff  }
0x83: {  	v16 =	vld.idx.msk [tilespmem:v47+s16+$0x0], $0xffff  }
0x84: {  	v18 =	vld.idx.msk [tilespmem:v45+s16+$0x0], $0xffff;
	v61 =	vmul.f32 v28, v25  }
0x85: {  	v19 =	vld.idx.msk [tilespmem:v43+s16+$0x0], $0xffff;
	v59 =	vmul.f32 v40, v38  }
0x86: {  	v63 =	vadd.f32 v61, v21;
	v58 =	vmul.f32 v41, v39  }
0x87: {  	v62 =	vmul.f32 v17, v15;
	v8 =	vadd.f32 v59, v8  }
0x88: {  	[tilespmem:$0x8360] =	vst v63;
	v14 =	vmul.f32 v16, v14;
	v9 =	vadd.f32 v58, v9  }
0x89: {  	v13 =	vmul.f32 v18, v13;
	[tilespmem:$0x8340] =	vst v8;
	v8 =	vadd.f32 v62, v22  }
0x8a: {  	v57 =	vmul.f32 v19, v42;
	v12 =	vadd.f32 v14, v12;
	[tilespmem:$0x8330] =	vst v9  }
0x8b: {  	v60 =	vmul.f32 v33, v30;
	v11 =	vadd.f32 v13, v11;
	[tilespmem:$0x8370] =	vst v8  }
0x8c: {  	v10 =	vadd.f32 v57, v10;
	[tilespmem:$0x8300] =	vst v12  }
0x8d: {  	s21 =	sadd.s32 $0x1, s21;
	[tilespmem:$0x8310] =	vst v11;
	v12 =	vadd.f32 v60, v20  }
0x8e: {  	p0 =	sne.s32 s21, s10;
	[tilespmem:$0x8320] =	vst v10  }
.Ltmp1:
0x8f: {  	[tilespmem:$0x8350] =	vst v12;
	(pc) =	sbr.rel @p0 .LBB2_1-.Ltmp1, $4  }
0x90: {  	[hbm4b:s9+s6] =	stream.linear.scatter [tilespmem:s20], [sflag:$0x2], $0x80, $0x38;
	[tilespmem:$0x8380] =	vst v63  }
0x91: {  	_ =	swait.ge [sflag:s11], $0x80  }
0x92: {  	[sflag:s11] =	ssyncset.done $0x0  }
0x93: {  	[sflag:s11] =	ssyncadd.s32 $0xFFFFFF80  }
0x94: {  	_ =	sfence.sel $0x180000  }
0x95: {  	[bflag:$0x0] =	sbarrier.arrive $0xFFFF  }
0x96: {  	p0 =	sne.s32 s5, $0x0;
	_ =	strace $0x90000047  }
0x97: {  	s0 =	sadd.s32 @!p0 $0x100000, s0;
	[bflag:$0x2] =	sbarrier.arrive $0xFFFF  }
0x98: {  	[sflag:s0] =	ssyncadd.tile.s32 @!p0 $0x1;
	_ =	shalt  }
.Lfunc_end2:
_tile_overlayer_lowered:
.L_overlay_start_2:
0x99: {  	(tag) =	ssettag $0x2  }
0x9a: {  	s0 =	rddreg [dreg:$0x0];
	s2 =	stileid.u32  }
0x9b: {  	s1 =	rddreg [dreg:$0x1];
	p0 =	sne.s32 s2, $0x0  }
0x9c: {  	s3 =	rddreg [dreg:$0x2];
	[bflag:$0x3] =	sbarrier.arrive $0xFFFF;
	s2 =	simm.s32 @!p0 $0x1C02  }
0x9d: {  	[timem:s3], [sflag:s2] =	dma.local @!p0 [hbm:s0], s1  }
0x9e: {  	s0 =	simm.s32 @!p0 $0x2  }
0x9f: {  	_ =	swait.ge @!p0 [sflag:s0], s1  }
0xa0: {  	s1 =	ssub.s32 @!p0 $0x0, s1;
	[sflag:s0] =	ssyncset.done @!p0 $0x0  }
0xa1: {  	[sflag:s0] =	ssyncadd.s32 @!p0 s1  }
0xa2: {  	[bflag:$0x3] =	sbarrier.arrive $0xFFFF  }
0xa3: {  	_ =	shalt  }

</sc_bundles>
